<compile_context>
chip_gen: v7x
topology: tpu7x:2x2x1
jax: 0.10.2.dev20260603
libtpu: 0.0.44.dev20260713+nightly
codegen_flags: <defaults>
</compile_context>

<pallas_src>
import numpy as np
import jax
import jax.numpy as jnp
from jax.experimental import pallas as pl

_OUT_CH = 192
_FEAT_DIM = _OUT_CH // 6
_BN = 8192

_TWO_OVER_PI = 0.6366197723675814
_PIO2_HI = np.float32(1.57079637050628662109375)
_PIO2_LO = np.float32(-4.37113900018624283e-8)
_MAGIC = np.float32(1.5 * 2.0**23)

_S1 = np.float32(-1.6666654611e-1)
_S2 = np.float32(8.3321608736e-3)
_S3 = np.float32(-1.9515295891e-4)
_C0 = np.float32(2.443315711809948e-5)
_C1 = np.float32(-1.388731625493765e-3)
_C2 = np.float32(4.166664568298827e-2)


def _sincos(t):
    kb = t * np.float32(_TWO_OVER_PI) + _MAGIC
    bits = jax.lax.bitcast_convert_type(kb, jnp.int32) - np.int32(0x4B400000)
    k = bits.astype(jnp.float32)
    y = t - k * _PIO2_HI
    y = y - k * _PIO2_LO
    z = y * y
    ps = _S3 * z + _S2
    ps = ps * z + _S1
    s = y + (y * z) * ps
    pc = _C0 * z + _C1
    pc = pc * z + _C2
    c = (z * z) * pc + (np.float32(1.0) - np.float32(0.5) * z)
    swap = (bits & 1) == 1
    sin_base = jnp.where(swap, c, s)
    cos_base = jnp.where(swap, s, c)
    sin_flip = (bits & 2) << 30
    cos_flip = ((bits + 1) & 2) << 30
    sin_t = jax.lax.bitcast_convert_type(
        jax.lax.bitcast_convert_type(sin_base, jnp.int32) ^ sin_flip, jnp.float32)
    cos_t = jax.lax.bitcast_convert_type(
        jax.lax.bitcast_convert_type(cos_base, jnp.int32) ^ cos_flip, jnp.float32)
    return sin_t, cos_t


def _pe_kernel(s_ref, r_ref, o_ref):
    s = s_ref[...]
    fd = _FEAT_DIM
    for i in range(3):
        t = r_ref[:, i : i + 1, :] * s
        sin_t, cos_t = _sincos(t)
        o_ref[:, 2 * i * fd : (2 * i + 1) * fd, :] = sin_t
        o_ref[:, (2 * i + 1) * fd : (2 * i + 2) * fd, :] = cos_t


def kernel(re_xyz, x):
    B, _, npoint, nsample = re_xyz.shape
    C = x.shape[1]
    N = npoint * nsample
    r = re_xyz.reshape(B, 3, N)

    fr = jnp.arange(_FEAT_DIM, dtype=jnp.float32)
    dim_mat = jnp.power(jnp.float32(500.0), (1.0 / _FEAT_DIM) * fr)
    scale = (50.0 / dim_mat).reshape(1, _FEAT_DIM, 1)

    nblk = N // _BN
    pe = pl.pallas_call(
        _pe_kernel,
        grid=(B, nblk),
        in_specs=[
            pl.BlockSpec((1, _FEAT_DIM, 1), lambda b, n: (0, 0, 0)),
            pl.BlockSpec((1, 3, _BN), lambda b, n: (b, 0, n)),
        ],
        out_specs=pl.BlockSpec((1, C, _BN), lambda b, n: (b, 0, n)),
        out_shape=jax.ShapeDtypeStruct((B, C, N), jnp.float32),
    )(scale, r)
    pe4 = pe.reshape(B, C, npoint, nsample)
    return x * pe4 + pe4

# --- scband reference (transcript-rebuilt; emitter-appended) ---
"""Pipeline reference for scband-point-pn-next-17214228922726 (READ-ONLY COPY).

The authoritative reference and input builder live on the scoring server;
editing this copy changes nothing except your own understanding.
"""

import jax, jax.numpy as jnp
import numpy as np

OUT_CHANNELS = 192


def setup_inputs(seed: int = 0) -> dict:
    key = jax.random.key(seed)
    k1, k2 = jax.random.split(key)
    # relative neighbor coordinates [B, 3, npoint, nsample], small magnitudes like ball-query offsets
    re_xyz = (jax.random.uniform(k1, (8, 3, 1024, 32), dtype=jnp.float32) - 0.5) * 0.2
    # grouped neighbor features [B, out_channels, npoint, nsample]
    x = jax.random.normal(k2, (8, OUT_CHANNELS, 1024, 32), dtype=jnp.float32)
    return {"re_xyz": re_xyz, "x": x}


def reference(re_xyz, x):
    # Faithful JAX translation of PosPool_Layer.forward (core of PosPool_Block
    # used throughout PointPN_next's LocalAggregation / SetAbstraction blocks).
    B, _, npoint, nsample = re_xyz.shape
    out_channels = OUT_CHANNELS
    feat_dim = out_channels // 6
    wave_length = 500.0
    alpha = 50.0
    feat_range = jnp.arange(feat_dim, dtype=jnp.float32)
    dim_mat = jnp.power(jnp.float32(wave_length), (1.0 / feat_dim) * feat_range)
    position_mat = jnp.expand_dims(alpha * re_xyz, -1)            # [B,3,np,ns,1]
    div_mat = position_mat / dim_mat                              # [B,3,np,ns,feat_dim]
    sin_mat = jnp.sin(div_mat)
    cos_mat = jnp.cos(div_mat)
    position_embedding = jnp.concatenate([sin_mat, cos_mat], axis=-1)  # [B,3,np,ns,2*feat_dim]
    position_embedding = jnp.transpose(position_embedding, (0, 1, 4, 2, 3))  # [B,3,2*fd,np,ns]
    position_embedding = position_embedding.reshape(B, out_channels, npoint, nsample)
    aggregation_features = x * position_embedding
    aggregation_features = aggregation_features + position_embedding
    return aggregation_features

if __name__ == "__main__":
    import jax
    _d = setup_inputs()
    print(jax.jit(kernel)(*tuple(_d.values())))

</pallas_src>

<mosaic_0001>
module attributes {stable_mosaic.version = 14 : i64} {
  func.func @_pe_kernel(%arg0: i32, %arg1: i32, %arg2: memref<1x32x1xf32, #tpu.memory_space<vmem>>, %arg3: memref<1x3x8192xf32, #tpu.memory_space<vmem>>, %arg4: memref<1x192x8192xf32, #tpu.memory_space<vmem>>) attributes {dimension_semantics = [#tpu.dimension_semantics<arbitrary>, #tpu.dimension_semantics<arbitrary>], iteration_bounds = array<i64: 8, 4>, scalar_prefetch = 0 : i64, scratch_operands = 0 : i64, tpu.core_type = #tpu.core_type<tc>, window_params = [{pipeline_mode = #tpu.pipeline_mode<synchronous>, transform_indices = @transform_0, window_bounds = array<i64: 1, 32, 1>}, {transform_indices = @transform_1, window_bounds = array<i64: 1, 3, 8192>}, {transform_indices = @transform_2, window_bounds = array<i64: 1, 192, 8192>}]} {
    %get3A = arith.constant 0 : index
    %get3A_0 = arith.constant 0 : index
    %get3A_1 = arith.constant 0 : index
    %get3A_2 = vector.load %arg2[%get3A, %get3A_0, %get3A_1] : memref<1x32x1xf32, #tpu.memory_space<vmem>>, vector<1x32x1xf32>
    %get3A_3 = arith.constant 0 : index
    %get3A_4 = arith.constant 0 : index
    %get3A_5 = arith.constant 0 : index
    %get3A_6 = vector.load %arg3[%get3A_3, %get3A_4, %get3A_5] : memref<1x3x8192xf32, #tpu.memory_space<vmem>>, vector<1x1x8192xf32>
    %mul3A = vector.broadcast %get3A_6 : vector<1x1x8192xf32> to vector<1x32x8192xf32>
    %mul3A_7 = vector.broadcast %get3A_2 : vector<1x32x1xf32> to vector<1x32x8192xf32>
    %mul3A_8 = arith.mulf %mul3A, %mul3A_7 : vector<1x32x8192xf32>
    %mul3A_9 = arith.constant 0.636619746 : f32
    %mul3A_10 = vector.broadcast %mul3A_9 : f32 to vector<1x32x8192xf32>
    %mul3A_11 = arith.mulf %mul3A_8, %mul3A_10 : vector<1x32x8192xf32>
    %add3A = arith.constant 0x4B400000 : f32
    %add3A_12 = vector.broadcast %add3A : f32 to vector<1x32x8192xf32>
    %add3A_13 = arith.addf %mul3A_11, %add3A_12 : vector<1x32x8192xf32>
    %bitcast_convert_type3A = tpu.bitcast %add3A_13 : vector<1x32x8192xf32> -> vector<1x32x8192xi32>
    %sub3A = arith.constant 1262485504 : i32
    %sub3A_14 = vector.broadcast %sub3A : i32 to vector<1x32x8192xi32>
    %sub3A_15 = arith.subi %bitcast_convert_type3A, %sub3A_14 : vector<1x32x8192xi32>
    %convert_element_type3A = arith.sitofp %sub3A_15 : vector<1x32x8192xi32> to vector<1x32x8192xf32>
    %mul3A_16 = arith.constant 1.57079637 : f32
    %mul3A_17 = vector.broadcast %mul3A_16 : f32 to vector<1x32x8192xf32>
    %mul3A_18 = arith.mulf %convert_element_type3A, %mul3A_17 : vector<1x32x8192xf32>
    %sub3A_19 = arith.subf %mul3A_8, %mul3A_18 : vector<1x32x8192xf32>
    %mul3A_20 = arith.constant -4.37113883E-8 : f32
    %mul3A_21 = vector.broadcast %mul3A_20 : f32 to vector<1x32x8192xf32>
    %mul3A_22 = arith.mulf %convert_element_type3A, %mul3A_21 : vector<1x32x8192xf32>
    %sub3A_23 = arith.subf %sub3A_19, %mul3A_22 : vector<1x32x8192xf32>
    %mul3A_24 = arith.mulf %sub3A_23, %sub3A_23 : vector<1x32x8192xf32>
    %mul3A_25 = arith.constant -1.95152956E-4 : f32
    %mul3A_26 = vector.broadcast %mul3A_25 : f32 to vector<1x32x8192xf32>
    %mul3A_27 = arith.mulf %mul3A_26, %mul3A_24 : vector<1x32x8192xf32>
    %add3A_28 = arith.constant 0.00833216123 : f32
    %add3A_29 = vector.broadcast %add3A_28 : f32 to vector<1x32x8192xf32>
    %add3A_30 = arith.addf %mul3A_27, %add3A_29 : vector<1x32x8192xf32>
    %mul3A_31 = arith.mulf %add3A_30, %mul3A_24 : vector<1x32x8192xf32>
    %add3A_32 = arith.constant -0.166666552 : f32
    %add3A_33 = vector.broadcast %add3A_32 : f32 to vector<1x32x8192xf32>
    %add3A_34 = arith.addf %mul3A_31, %add3A_33 : vector<1x32x8192xf32>
    %mul3A_35 = arith.mulf %sub3A_23, %mul3A_24 : vector<1x32x8192xf32>
    %mul3A_36 = arith.mulf %mul3A_35, %add3A_34 : vector<1x32x8192xf32>
    %add3A_37 = arith.addf %sub3A_23, %mul3A_36 : vector<1x32x8192xf32>
    %mul3A_38 = arith.constant 2.44331568E-5 : f32
    %mul3A_39 = vector.broadcast %mul3A_38 : f32 to vector<1x32x8192xf32>
    %mul3A_40 = arith.mulf %mul3A_39, %mul3A_24 : vector<1x32x8192xf32>
    %add3A_41 = arith.constant -0.00138873165 : f32
    %add3A_42 = vector.broadcast %add3A_41 : f32 to vector<1x32x8192xf32>
    %add3A_43 = arith.addf %mul3A_40, %add3A_42 : vector<1x32x8192xf32>
    %mul3A_44 = arith.mulf %add3A_43, %mul3A_24 : vector<1x32x8192xf32>
    %add3A_45 = arith.constant 0.0416666456 : f32
    %add3A_46 = vector.broadcast %add3A_45 : f32 to vector<1x32x8192xf32>
    %add3A_47 = arith.addf %mul3A_44, %add3A_46 : vector<1x32x8192xf32>
    %mul3A_48 = arith.mulf %mul3A_24, %mul3A_24 : vector<1x32x8192xf32>
    %mul3A_49 = arith.mulf %mul3A_48, %add3A_47 : vector<1x32x8192xf32>
    %mul3A_50 = arith.constant 5.000000e-01 : f32
    %mul3A_51 = vector.broadcast %mul3A_50 : f32 to vector<1x32x8192xf32>
    %mul3A_52 = arith.mulf %mul3A_51, %mul3A_24 : vector<1x32x8192xf32>
    %sub3A_53 = arith.constant 1.000000e+00 : f32
    %sub3A_54 = vector.broadcast %sub3A_53 : f32 to vector<1x32x8192xf32>
    %sub3A_55 = arith.subf %sub3A_54, %mul3A_52 : vector<1x32x8192xf32>
    %add3A_56 = arith.addf %mul3A_49, %sub3A_55 : vector<1x32x8192xf32>
    %and3A = arith.constant 1 : i32
    %and3A_57 = vector.broadcast %and3A : i32 to vector<1x32x8192xi32>
    %and3A_58 = arith.andi %sub3A_15, %and3A_57 : vector<1x32x8192xi32>
    %eq3A = arith.constant 1 : i32
    %eq3A_59 = vector.broadcast %eq3A : i32 to vector<1x32x8192xi32>
    %eq3A_60 = arith.cmpi eq, %and3A_58, %eq3A_59 : vector<1x32x8192xi32>
    %select_n3A = arith.select %eq3A_60, %add3A_56, %add3A_37 : vector<1x32x8192xi1>, vector<1x32x8192xf32>
    %select_n3A_61 = arith.select %eq3A_60, %add3A_37, %add3A_56 : vector<1x32x8192xi1>, vector<1x32x8192xf32>
    %and3A_62 = arith.constant 2 : i32
    %and3A_63 = vector.broadcast %and3A_62 : i32 to vector<1x32x8192xi32>
    %and3A_64 = arith.andi %sub3A_15, %and3A_63 : vector<1x32x8192xi32>
    %shift_left3A = arith.constant 30 : i32
    %shift_left3A_65 = vector.broadcast %shift_left3A : i32 to vector<1x32x8192xi32>
    %shift_left3A_66 = arith.shli %and3A_64, %shift_left3A_65 : vector<1x32x8192xi32>
    %add3A_67 = arith.constant 1 : i32
    %add3A_68 = vector.broadcast %add3A_67 : i32 to vector<1x32x8192xi32>
    %add3A_69 = arith.addi %sub3A_15, %add3A_68 : vector<1x32x8192xi32>
    %and3A_70 = arith.constant 2 : i32
    %and3A_71 = vector.broadcast %and3A_70 : i32 to vector<1x32x8192xi32>
    %and3A_72 = arith.andi %add3A_69, %and3A_71 : vector<1x32x8192xi32>
    %shift_left3A_73 = arith.constant 30 : i32
    %shift_left3A_74 = vector.broadcast %shift_left3A_73 : i32 to vector<1x32x8192xi32>
    %shift_left3A_75 = arith.shli %and3A_72, %shift_left3A_74 : vector<1x32x8192xi32>
    %bitcast_convert_type3A_76 = tpu.bitcast %select_n3A : vector<1x32x8192xf32> -> vector<1x32x8192xi32>
    %xor3A = arith.xori %bitcast_convert_type3A_76, %shift_left3A_66 : vector<1x32x8192xi32>
    %bitcast_convert_type3A_77 = tpu.bitcast %xor3A : vector<1x32x8192xi32> -> vector<1x32x8192xf32>
    %bitcast_convert_type3A_78 = tpu.bitcast %select_n3A_61 : vector<1x32x8192xf32> -> vector<1x32x8192xi32>
    %xor3A_79 = arith.xori %bitcast_convert_type3A_78, %shift_left3A_75 : vector<1x32x8192xi32>
    %bitcast_convert_type3A_80 = tpu.bitcast %xor3A_79 : vector<1x32x8192xi32> -> vector<1x32x8192xf32>
    %swap3A = arith.constant 0 : index
    %swap3A_81 = arith.constant 0 : index
    %swap3A_82 = arith.constant 0 : index
    %swap3A_83 = vector.load %arg4[%swap3A, %swap3A_81, %swap3A_82] : memref<1x192x8192xf32, #tpu.memory_space<vmem>>, vector<1x32x8192xf32>
    tpu.vector_store %arg4[%swap3A, %swap3A_81, %swap3A_82], %bitcast_convert_type3A_77 {strides = array<i32>} : memref<1x192x8192xf32, #tpu.memory_space<vmem>>, vector<1x32x8192xf32>,
    %swap3A_84 = arith.constant 0 : index
    %swap3A_85 = arith.constant 32 : index
    %swap3A_86 = arith.constant 0 : index
    %swap3A_87 = vector.load %arg4[%swap3A_84, %swap3A_85, %swap3A_86] : memref<1x192x8192xf32, #tpu.memory_space<vmem>>, vector<1x32x8192xf32>
    tpu.vector_store %arg4[%swap3A_84, %swap3A_85, %swap3A_86], %bitcast_convert_type3A_80 {strides = array<i32>} : memref<1x192x8192xf32, #tpu.memory_space<vmem>>, vector<1x32x8192xf32>,
    %get3A_88 = arith.constant 0 : index
    %get3A_89 = arith.constant 1 : index
    %get3A_90 = arith.constant 0 : index
    %get3A_91 = vector.load %arg3[%get3A_88, %get3A_89, %get3A_90] : memref<1x3x8192xf32, #tpu.memory_space<vmem>>, vector<1x1x8192xf32>
    %mul3A_92 = vector.broadcast %get3A_91 : vector<1x1x8192xf32> to vector<1x32x8192xf32>
    %mul3A_93 = vector.broadcast %get3A_2 : vector<1x32x1xf32> to vector<1x32x8192xf32>
    %mul3A_94 = arith.mulf %mul3A_92, %mul3A_93 : vector<1x32x8192xf32>
    %mul3A_95 = arith.constant 0.636619746 : f32
    %mul3A_96 = vector.broadcast %mul3A_95 : f32 to vector<1x32x8192xf32>
    %mul3A_97 = arith.mulf %mul3A_94, %mul3A_96 : vector<1x32x8192xf32>
    %add3A_98 = arith.constant 0x4B400000 : f32
    %add3A_99 = vector.broadcast %add3A_98 : f32 to vector<1x32x8192xf32>
    %add3A_100 = arith.addf %mul3A_97, %add3A_99 : vector<1x32x8192xf32>
    %bitcast_convert_type3A_101 = tpu.bitcast %add3A_100 : vector<1x32x8192xf32> -> vector<1x32x8192xi32>
    %sub3A_102 = arith.constant 1262485504 : i32
    %sub3A_103 = vector.broadcast %sub3A_102 : i32 to vector<1x32x8192xi32>
    %sub3A_104 = arith.subi %bitcast_convert_type3A_101, %sub3A_103 : vector<1x32x8192xi32>
    %convert_element_type3A_105 = arith.sitofp %sub3A_104 : vector<1x32x8192xi32> to vector<1x32x8192xf32>
    %mul3A_106 = arith.constant 1.57079637 : f32
    %mul3A_107 = vector.broadcast %mul3A_106 : f32 to vector<1x32x8192xf32>
    %mul3A_108 = arith.mulf %convert_element_type3A_105, %mul3A_107 : vector<1x32x8192xf32>
    %sub3A_109 = arith.subf %mul3A_94, %mul3A_108 : vector<1x32x8192xf32>
    %mul3A_110 = arith.constant -4.37113883E-8 : f32
    %mul3A_111 = vector.broadcast %mul3A_110 : f32 to vector<1x32x8192xf32>
    %mul3A_112 = arith.mulf %convert_element_type3A_105, %mul3A_111 : vector<1x32x8192xf32>
    %sub3A_113 = arith.subf %sub3A_109, %mul3A_112 : vector<1x32x8192xf32>
    %mul3A_114 = arith.mulf %sub3A_113, %sub3A_113 : vector<1x32x8192xf32>
    %mul3A_115 = arith.constant -1.95152956E-4 : f32
    %mul3A_116 = vector.broadcast %mul3A_115 : f32 to vector<1x32x8192xf32>
    %mul3A_117 = arith.mulf %mul3A_116, %mul3A_114 : vector<1x32x8192xf32>
    %add3A_118 = arith.constant 0.00833216123 : f32
    %add3A_119 = vector.broadcast %add3A_118 : f32 to vector<1x32x8192xf32>
    %add3A_120 = arith.addf %mul3A_117, %add3A_119 : vector<1x32x8192xf32>
    %mul3A_121 = arith.mulf %add3A_120, %mul3A_114 : vector<1x32x8192xf32>
    %add3A_122 = arith.constant -0.166666552 : f32
    %add3A_123 = vector.broadcast %add3A_122 : f32 to vector<1x32x8192xf32>
    %add3A_124 = arith.addf %mul3A_121, %add3A_123 : vector<1x32x8192xf32>
    %mul3A_125 = arith.mulf %sub3A_113, %mul3A_114 : vector<1x32x8192xf32>
    %mul3A_126 = arith.mulf %mul3A_125, %add3A_124 : vector<1x32x8192xf32>
    %add3A_127 = arith.addf %sub3A_113, %mul3A_126 : vector<1x32x8192xf32>
    %mul3A_128 = arith.constant 2.44331568E-5 : f32
    %mul3A_129 = vector.broadcast %mul3A_128 : f32 to vector<1x32x8192xf32>
    %mul3A_130 = arith.mulf %mul3A_129, %mul3A_114 : vector<1x32x8192xf32>
    %add3A_131 = arith.constant -0.00138873165 : f32
    %add3A_132 = vector.broadcast %add3A_131 : f32 to vector<1x32x8192xf32>
    %add3A_133 = arith.addf %mul3A_130, %add3A_132 : vector<1x32x8192xf32>
    %mul3A_134 = arith.mulf %add3A_133, %mul3A_114 : vector<1x32x8192xf32>
    %add3A_135 = arith.constant 0.0416666456 : f32
    %add3A_136 = vector.broadcast %add3A_135 : f32 to vector<1x32x8192xf32>
    %add3A_137 = arith.addf %mul3A_134, %add3A_136 : vector<1x32x8192xf32>
    %mul3A_138 = arith.mulf %mul3A_114, %mul3A_114 : vector<1x32x8192xf32>
    %mul3A_139 = arith.mulf %mul3A_138, %add3A_137 : vector<1x32x8192xf32>
    %mul3A_140 = arith.constant 5.000000e-01 : f32
    %mul3A_141 = vector.broadcast %mul3A_140 : f32 to vector<1x32x8192xf32>
    %mul3A_142 = arith.mulf %mul3A_141, %mul3A_114 : vector<1x32x8192xf32>
    %sub3A_143 = arith.constant 1.000000e+00 : f32
    %sub3A_144 = vector.broadcast %sub3A_143 : f32 to vector<1x32x8192xf32>
    %sub3A_145 = arith.subf %sub3A_144, %mul3A_142 : vector<1x32x8192xf32>
    %add3A_146 = arith.addf %mul3A_139, %sub3A_145 : vector<1x32x8192xf32>
    %and3A_147 = arith.constant 1 : i32
    %and3A_148 = vector.broadcast %and3A_147 : i32 to vector<1x32x8192xi32>
    %and3A_149 = arith.andi %sub3A_104, %and3A_148 : vector<1x32x8192xi32>
    %eq3A_150 = arith.constant 1 : i32
    %eq3A_151 = vector.broadcast %eq3A_150 : i32 to vector<1x32x8192xi32>
    %eq3A_152 = arith.cmpi eq, %and3A_149, %eq3A_151 : vector<1x32x8192xi32>
    %select_n3A_153 = arith.select %eq3A_152, %add3A_146, %add3A_127 : vector<1x32x8192xi1>, vector<1x32x8192xf32>
    %select_n3A_154 = arith.select %eq3A_152, %add3A_127, %add3A_146 : vector<1x32x8192xi1>, vector<1x32x8192xf32>
    %and3A_155 = arith.constant 2 : i32
    %and3A_156 = vector.broadcast %and3A_155 : i32 to vector<1x32x8192xi32>
    %and3A_157 = arith.andi %sub3A_104, %and3A_156 : vector<1x32x8192xi32>
    %shift_left3A_158 = arith.constant 30 : i32
    %shift_left3A_159 = vector.broadcast %shift_left3A_158 : i32 to vector<1x32x8192xi32>
    %shift_left3A_160 = arith.shli %and3A_157, %shift_left3A_159 : vector<1x32x8192xi32>
    %add3A_161 = arith.constant 1 : i32
    %add3A_162 = vector.broadcast %add3A_161 : i32 to vector<1x32x8192xi32>
    %add3A_163 = arith.addi %sub3A_104, %add3A_162 : vector<1x32x8192xi32>
    %and3A_164 = arith.constant 2 : i32
    %and3A_165 = vector.broadcast %and3A_164 : i32 to vector<1x32x8192xi32>
    %and3A_166 = arith.andi %add3A_163, %and3A_165 : vector<1x32x8192xi32>
    %shift_left3A_167 = arith.constant 30 : i32
    %shift_left3A_168 = vector.broadcast %shift_left3A_167 : i32 to vector<1x32x8192xi32>
    %shift_left3A_169 = arith.shli %and3A_166, %shift_left3A_168 : vector<1x32x8192xi32>
    %bitcast_convert_type3A_170 = tpu.bitcast %select_n3A_153 : vector<1x32x8192xf32> -> vector<1x32x8192xi32>
    %xor3A_171 = arith.xori %bitcast_convert_type3A_170, %shift_left3A_160 : vector<1x32x8192xi32>
    %bitcast_convert_type3A_172 = tpu.bitcast %xor3A_171 : vector<1x32x8192xi32> -> vector<1x32x8192xf32>
    %bitcast_convert_type3A_173 = tpu.bitcast %select_n3A_154 : vector<1x32x8192xf32> -> vector<1x32x8192xi32>
    %xor3A_174 = arith.xori %bitcast_convert_type3A_173, %shift_left3A_169 : vector<1x32x8192xi32>
    %bitcast_convert_type3A_175 = tpu.bitcast %xor3A_174 : vector<1x32x8192xi32> -> vector<1x32x8192xf32>
    %swap3A_176 = arith.constant 0 : index
    %swap3A_177 = arith.constant 64 : index
    %swap3A_178 = arith.constant 0 : index
    %swap3A_179 = vector.load %arg4[%swap3A_176, %swap3A_177, %swap3A_178] : memref<1x192x8192xf32, #tpu.memory_space<vmem>>, vector<1x32x8192xf32>
    tpu.vector_store %arg4[%swap3A_176, %swap3A_177, %swap3A_178], %bitcast_convert_type3A_172 {strides = array<i32>} : memref<1x192x8192xf32, #tpu.memory_space<vmem>>, vector<1x32x8192xf32>,
    %swap3A_180 = arith.constant 0 : index
    %swap3A_181 = arith.constant 96 : index
    %swap3A_182 = arith.constant 0 : index
    %swap3A_183 = vector.load %arg4[%swap3A_180, %swap3A_181, %swap3A_182] : memref<1x192x8192xf32, #tpu.memory_space<vmem>>, vector<1x32x8192xf32>
    tpu.vector_store %arg4[%swap3A_180, %swap3A_181, %swap3A_182], %bitcast_convert_type3A_175 {strides = array<i32>} : memref<1x192x8192xf32, #tpu.memory_space<vmem>>, vector<1x32x8192xf32>,
    %get3A_184 = arith.constant 0 : index
    %get3A_185 = arith.constant 2 : index
    %get3A_186 = arith.constant 0 : index
    %get3A_187 = vector.load %arg3[%get3A_184, %get3A_185, %get3A_186] : memref<1x3x8192xf32, #tpu.memory_space<vmem>>, vector<1x1x8192xf32>
    %mul3A_188 = vector.broadcast %get3A_187 : vector<1x1x8192xf32> to vector<1x32x8192xf32>
    %mul3A_189 = vector.broadcast %get3A_2 : vector<1x32x1xf32> to vector<1x32x8192xf32>
    %mul3A_190 = arith.mulf %mul3A_188, %mul3A_189 : vector<1x32x8192xf32>
    %mul3A_191 = arith.constant 0.636619746 : f32
    %mul3A_192 = vector.broadcast %mul3A_191 : f32 to vector<1x32x8192xf32>
    %mul3A_193 = arith.mulf %mul3A_190, %mul3A_192 : vector<1x32x8192xf32>
    %add3A_194 = arith.constant 0x4B400000 : f32
    %add3A_195 = vector.broadcast %add3A_194 : f32 to vector<1x32x8192xf32>
    %add3A_196 = arith.addf %mul3A_193, %add3A_195 : vector<1x32x8192xf32>
    %bitcast_convert_type3A_197 = tpu.bitcast %add3A_196 : vector<1x32x8192xf32> -> vector<1x32x8192xi32>
    %sub3A_198 = arith.constant 1262485504 : i32
    %sub3A_199 = vector.broadcast %sub3A_198 : i32 to vector<1x32x8192xi32>
    %sub3A_200 = arith.subi %bitcast_convert_type3A_197, %sub3A_199 : vector<1x32x8192xi32>
    %convert_element_type3A_201 = arith.sitofp %sub3A_200 : vector<1x32x8192xi32> to vector<1x32x8192xf32>
    %mul3A_202 = arith.constant 1.57079637 : f32
    %mul3A_203 = vector.broadcast %mul3A_202 : f32 to vector<1x32x8192xf32>
    %mul3A_204 = arith.mulf %convert_element_type3A_201, %mul3A_203 : vector<1x32x8192xf32>
    %sub3A_205 = arith.subf %mul3A_190, %mul3A_204 : vector<1x32x8192xf32>
    %mul3A_206 = arith.constant -4.37113883E-8 : f32
    %mul3A_207 = vector.broadcast %mul3A_206 : f32 to vector<1x32x8192xf32>
    %mul3A_208 = arith.mulf %convert_element_type3A_201, %mul3A_207 : vector<1x32x8192xf32>
    %sub3A_209 = arith.subf %sub3A_205, %mul3A_208 : vector<1x32x8192xf32>
    %mul3A_210 = arith.mulf %sub3A_209, %sub3A_209 : vector<1x32x8192xf32>
    %mul3A_211 = arith.constant -1.95152956E-4 : f32
    %mul3A_212 = vector.broadcast %mul3A_211 : f32 to vector<1x32x8192xf32>
    %mul3A_213 = arith.mulf %mul3A_212, %mul3A_210 : vector<1x32x8192xf32>
    %add3A_214 = arith.constant 0.00833216123 : f32
    %add3A_215 = vector.broadcast %add3A_214 : f32 to vector<1x32x8192xf32>
    %add3A_216 = arith.addf %mul3A_213, %add3A_215 : vector<1x32x8192xf32>
    %mul3A_217 = arith.mulf %add3A_216, %mul3A_210 : vector<1x32x8192xf32>
    %add3A_218 = arith.constant -0.166666552 : f32
    %add3A_219 = vector.broadcast %add3A_218 : f32 to vector<1x32x8192xf32>
    %add3A_220 = arith.addf %mul3A_217, %add3A_219 : vector<1x32x8192xf32>
    %mul3A_221 = arith.mulf %sub3A_209, %mul3A_210 : vector<1x32x8192xf32>
    %mul3A_222 = arith.mulf %mul3A_221, %add3A_220 : vector<1x32x8192xf32>
    %add3A_223 = arith.addf %sub3A_209, %mul3A_222 : vector<1x32x8192xf32>
    %mul3A_224 = arith.constant 2.44331568E-5 : f32
    %mul3A_225 = vector.broadcast %mul3A_224 : f32 to vector<1x32x8192xf32>
    %mul3A_226 = arith.mulf %mul3A_225, %mul3A_210 : vector<1x32x8192xf32>
    %add3A_227 = arith.constant -0.00138873165 : f32
    %add3A_228 = vector.broadcast %add3A_227 : f32 to vector<1x32x8192xf32>
    %add3A_229 = arith.addf %mul3A_226, %add3A_228 : vector<1x32x8192xf32>
    %mul3A_230 = arith.mulf %add3A_229, %mul3A_210 : vector<1x32x8192xf32>
    %add3A_231 = arith.constant 0.0416666456 : f32
    %add3A_232 = vector.broadcast %add3A_231 : f32 to vector<1x32x8192xf32>
    %add3A_233 = arith.addf %mul3A_230, %add3A_232 : vector<1x32x8192xf32>
    %mul3A_234 = arith.mulf %mul3A_210, %mul3A_210 : vector<1x32x8192xf32>
    %mul3A_235 = arith.mulf %mul3A_234, %add3A_233 : vector<1x32x8192xf32>
    %mul3A_236 = arith.constant 5.000000e-01 : f32
    %mul3A_237 = vector.broadcast %mul3A_236 : f32 to vector<1x32x8192xf32>
    %mul3A_238 = arith.mulf %mul3A_237, %mul3A_210 : vector<1x32x8192xf32>
    %sub3A_239 = arith.constant 1.000000e+00 : f32
    %sub3A_240 = vector.broadcast %sub3A_239 : f32 to vector<1x32x8192xf32>
    %sub3A_241 = arith.subf %sub3A_240, %mul3A_238 : vector<1x32x8192xf32>
    %add3A_242 = arith.addf %mul3A_235, %sub3A_241 : vector<1x32x8192xf32>
    %and3A_243 = arith.constant 1 : i32
    %and3A_244 = vector.broadcast %and3A_243 : i32 to vector<1x32x8192xi32>
    %and3A_245 = arith.andi %sub3A_200, %and3A_244 : vector<1x32x8192xi32>
    %eq3A_246 = arith.constant 1 : i32
    %eq3A_247 = vector.broadcast %eq3A_246 : i32 to vector<1x32x8192xi32>
    %eq3A_248 = arith.cmpi eq, %and3A_245, %eq3A_247 : vector<1x32x8192xi32>
    %select_n3A_249 = arith.select %eq3A_248, %add3A_242, %add3A_223 : vector<1x32x8192xi1>, vector<1x32x8192xf32>
    %select_n3A_250 = arith.select %eq3A_248, %add3A_223, %add3A_242 : vector<1x32x8192xi1>, vector<1x32x8192xf32>
    %and3A_251 = arith.constant 2 : i32
    %and3A_252 = vector.broadcast %and3A_251 : i32 to vector<1x32x8192xi32>
    %and3A_253 = arith.andi %sub3A_200, %and3A_252 : vector<1x32x8192xi32>
    %shift_left3A_254 = arith.constant 30 : i32
    %shift_left3A_255 = vector.broadcast %shift_left3A_254 : i32 to vector<1x32x8192xi32>
    %shift_left3A_256 = arith.shli %and3A_253, %shift_left3A_255 : vector<1x32x8192xi32>
    %add3A_257 = arith.constant 1 : i32
    %add3A_258 = vector.broadcast %add3A_257 : i32 to vector<1x32x8192xi32>
    %add3A_259 = arith.addi %sub3A_200, %add3A_258 : vector<1x32x8192xi32>
    %and3A_260 = arith.constant 2 : i32
    %and3A_261 = vector.broadcast %and3A_260 : i32 to vector<1x32x8192xi32>
    %and3A_262 = arith.andi %add3A_259, %and3A_261 : vector<1x32x8192xi32>
    %shift_left3A_263 = arith.constant 30 : i32
    %shift_left3A_264 = vector.broadcast %shift_left3A_263 : i32 to vector<1x32x8192xi32>
    %shift_left3A_265 = arith.shli %and3A_262, %shift_left3A_264 : vector<1x32x8192xi32>
    %bitcast_convert_type3A_266 = tpu.bitcast %select_n3A_249 : vector<1x32x8192xf32> -> vector<1x32x8192xi32>
    %xor3A_267 = arith.xori %bitcast_convert_type3A_266, %shift_left3A_256 : vector<1x32x8192xi32>
    %bitcast_convert_type3A_268 = tpu.bitcast %xor3A_267 : vector<1x32x8192xi32> -> vector<1x32x8192xf32>
    %bitcast_convert_type3A_269 = tpu.bitcast %select_n3A_250 : vector<1x32x8192xf32> -> vector<1x32x8192xi32>
    %xor3A_270 = arith.xori %bitcast_convert_type3A_269, %shift_left3A_265 : vector<1x32x8192xi32>
    %bitcast_convert_type3A_271 = tpu.bitcast %xor3A_270 : vector<1x32x8192xi32> -> vector<1x32x8192xf32>
    %swap3A_272 = arith.constant 0 : index
    %swap3A_273 = arith.constant 128 : index
    %swap3A_274 = arith.constant 0 : index
    %swap3A_275 = vector.load %arg4[%swap3A_272, %swap3A_273, %swap3A_274] : memref<1x192x8192xf32, #tpu.memory_space<vmem>>, vector<1x32x8192xf32>
    tpu.vector_store %arg4[%swap3A_272, %swap3A_273, %swap3A_274], %bitcast_convert_type3A_268 {strides = array<i32>} : memref<1x192x8192xf32, #tpu.memory_space<vmem>>, vector<1x32x8192xf32>,
    %swap3A_276 = arith.constant 0 : index
    %swap3A_277 = arith.constant 160 : index
    %swap3A_278 = arith.constant 0 : index
    %swap3A_279 = vector.load %arg4[%swap3A_276, %swap3A_277, %swap3A_278] : memref<1x192x8192xf32, #tpu.memory_space<vmem>>, vector<1x32x8192xf32>
    tpu.vector_store %arg4[%swap3A_276, %swap3A_277, %swap3A_278], %bitcast_convert_type3A_271 {strides = array<i32>} : memref<1x192x8192xf32, #tpu.memory_space<vmem>>, vector<1x32x8192xf32>,
    return
  }
  func.func @transform_0(%arg0: i32, %arg1: i32) -> (i32, i32, i32) {
    %c0_i32 = arith.constant 0 : i32
    %c0_i32_0 = arith.constant 0 : i32
    %c0_i32_1 = arith.constant 0 : i32
    %c0_i32_2 = arith.constant 0 : i32
    return %c0_i32, %c0_i32_0, %c0_i32_1 : i32, i32, i32
  }
  func.func @transform_1(%arg0: i32, %arg1: i32) -> (i32, i32, i32) {
    %c0_i32 = arith.constant 0 : i32
    %c0_i32_0 = arith.constant 0 : i32
    return %arg0, %c0_i32, %arg1 : i32, i32, i32
  }
  func.func @transform_2(%arg0: i32, %arg1: i32) -> (i32, i32, i32) {
    %c0_i32 = arith.constant 0 : i32
    %c0_i32_0 = arith.constant 0 : i32
    return %arg0, %c0_i32, %arg1 : i32, i32, i32
  }
}

</mosaic_0001>

<sc_bundles>
// kernel: sparse-core-data-format-call.cloned.1.call-start
scs
called_computation_lowered:
.L_overlay_start_0:
0x0: {  	s2 =	sld [smem:$0x3FD9]  }
0x1: {  	s3 =	sld [smem:$0x3FFE];
	_ =	sdelay $0x1  }
0x2: {  	s1 =	srdreg.scid  }
0x3: {  	s0 =	sand.u32 $0x1, s1  }
0x4: {  	s18 =	sshll.u32 s0, $0xA;
	s2 =	sadd.s32 s3, s2  }
0x5: {  	s2 =	sadd.s32 s2, s18  }
0x6: {  	[smem:$0x3FC6] =	sst s2  }
0x7: {  	_ = 	snop  }
0x8: {  	s2 =	sld [smem:$0x3FD0];
	(tm) =	ssettm $0x1  }
0x9: {  	s19 =	sld [smem:$0x3FFB];
	_ =	sdelay $0x3  }
0xa: {  	_ =	strace s19  }
0xb: {  	s3 =	sld [smem:$0x3FFC];
	_ =	sdelay $0x3  }
0xc: {  	_ =	strace s3  }
0xd: {  	s3 =	sld [smem:$0x3FFD];
	_ =	sdelay $0x3  }
0xe: {  	_ =	strace s3  }
0xf: {  	_ =	strace $0x8FFFFFFF  }
0x10: {  	s20 =	sld [smem:$0x3FDB];
	_ =	sdelay $0x1  }
0x11: {  	s4 =	simm.s32 $_scs_section_size  }
0x12: {  	s5 =	simm.s32 $_size__tile_overlayer_lowered;
	s6 =	simm.s32 $_tile_overlayer_lowered  }
0x13: {  	s23 =	simm.s32 $0x1BFF;
	s22 =	sshll.u32 s6, $0x1;
	s3 =	sadd.s32 s4, s20  }
0x14: {  	s7 =	simm.s32 $0x0;
	s21 =	sshll.u32 s5, $0x1;
	s5 =	sadd.s32 s22, s3  }
0x15: {  	[timem:s7], [sflag:s23] =	dma.local [hbm:s5], s21  }
0x16: {  	_ =	swait.ge [sflag:s23], s21  }
0x17: {  	s4 =	ssub.s32 $0x0, s21;
	[sflag:s23] =	ssyncset.done $0x0  }
0x18: {  	[sflag:s23] =	ssyncadd.s32 s4;
	_ =	sdelay $0x1  }
0x19: {  	s24 =	simm.s32 $0x1B8B  }
0x1a: {  	_ =	swait.ge [sflag:s24], $0x1  }
0x1b: {  	[sflag:s24] =	ssyncset.done $0x0  }
0x1c: {  	s26 =	simm.s32 $0x1B8E;
	s25 =	sld [smem:$0x3FFE];
	[sflag:s24] =	ssyncadd.s32 $0xFFFFFFFF  }
0x1d: {  	s27 =	simm.s32 $execute0_lowered;
	[smem:$0x3FD2] =	sst s26  }
0x1e: {  	s5 =	sshll.u32 s27, $0x1;
	_ =	strace $0x80000046;
	[dreg:$0x1] =	wrdreg $0xFFFFFFFF  }
0x1f: {  	s28 =	simm.s32 $_size_execute0_lowered;
	s3 =	sadd.s32 s3, s5;
	[dreg:$0x0] =	wrdreg $0x0  }
0x20: {  	s5 =	sshll.u32 s28, $0x1;
	[dreg:$0x2] =	wrdreg s3  }
0x21: {  	[dreg:$0x3] =	wrdreg s5  }
0x22: {  	[dreg:$0x4] =	wrdreg $0xC0  }
0x23: {  	_ =	task [dreg:s7], $0x5FFFF  }
0x24: {  	[dreg:$0x1] =	wrdreg $0xFFFFFFFF  }
0x25: {  	[dreg:$0x0] =	wrdreg $0x60  }
0x26: {  	[dreg:$0x2] =	wrdreg s25  }
0x27: {  	[dreg:$0x3] =	wrdreg s2  }
0x28: {  	[dreg:$0x4] =	wrdreg $0x9  }
0x29: {  	_ =	task.clear_ibuf [dreg:s7], $0x5FFFF;
	_ =	strace $0x90000046  }
0x2a: {  	s29 =	simm.s32 $0x9;
	_ =	strace $0x80000048  }
0x2b: {  	_ =	swait.ge [sflag:s29], $0x1  }
0x2c: {  	[sflag:s29] =	ssyncadd.s32 $0xFFFFFFFF  }
0x2d: {  	_ =	strace $0x90000048  }
0x2e: {  	_ =	sfence  }
0x2f: {  	s30 =	sld [smem:$0x0];
	_ =	sdelay $0x2  }
0x30: {  	s31 =	sshll.u32 s1, $0xD;
	s1 =	sshrl.u32 s1, $0x2  }
0x31: {  	s3 =	sand.u32 $0x4000, s31;
	s1 =	sadd.s32 s1, s30  }
0x32: {  	s0 =	sor.u32 s3, s0;
	s1 =	sshll.u32 s1, $0x11  }
0x33: {  	s0 =	sor.u32 s1, s0  }
0x34: {  	s0 =	sadd.s32 $0x8F2B, s0  }
0x35: {  	[sflag:s0] =	ssyncadd.remote.s32 $0x1  }
0x36: {  	_ =	sfence.sel $0xFFFF  }
0x37: {  	[dreg:$0x0] =	wrdreg $0xFFFFFFFF;
	(pc) =	sbr.abs _section_cstart, $3  }
0x38: {  	[dreg:$0x1] =	wrdreg $0xFFFFFFFF  }
0x39: {  	_ =	task.clear_ibuf [dreg:s7], $0x2FFFF;
	_ =	strace $0x9FFFFFFF  }
0x3a: {  	(tm) =	ssettm $0x7FFFFFFF  }
0x3b: {  	_ =	shalt  }
tec
execute0_lowered:
.L_overlay_start_1:
0x0: {  	(tag) =	ssettag $0x1  }
0x1: {  	s0 =	stileid.u32;
	s4 =	rddreg [dreg:$0x0]  }
0x2: {  	s1 =	srdreg.scid;
	s3 =	rddreg [dreg:$0x1];
	s7 =	simm.s32 $0x1  }
0x3: {  	s31 =	simm.s32 $0x2;
	s19 =	simm.s32 $0x0;
	s9 =	simm.s32 $0x8000  }
0x4: {  	s21 =	simm.s32 $0x0;
	s20 =	simm.s32 $0x0;
	s22 =	simm.s32 $0x0  }
0x5: {  	s10 =	simm.s32 $0x0;
	s2 =	sshll.u32 s0, $0x4;
	s1 =	sshll.u32 s1, $0x8  }
0x6: {  	s11 =	simm.s32 $0x0;
	s12 =	simm.s32 $0x0;
	s1 =	sor.u32 s2, s1  }
0x7: {  	s13 =	simm.s32 $0x0;
	s14 =	simm.s32 $0x0;
	s2 =	sand.u32 $0x180, s1  }
0x8: {  	s15 =	simm.s32 $0x0;
	s18 =	simm.s32 $0x0;
	s5 =	ssub.s32 $0x400, s2  }
0x9: {  	s4 =	sadd.s32 $0x400, s4;
	s1 =	rddreg [dreg:$0x2];
	s6 =	sand.u32 $0x180, s5  }
.Ltmp0:
0xa: {  	_ =	strace $0x80000047;
	p0 =	sne.s32 s6, $0x0;
	(pc) =	sbr.rel .LBB1_1-.Ltmp0, $4  }
0xb: {  	s16 =	smov.u32 s2;
	s8 =	sshrl.u32 s5, $0x9;
	s7 =	simm.s32 @!p0 $0x0  }
0xc: {  	s5 =	sand.u32 $0x7, s0;
	s6 =	simm.s32 $0x1;
	s7 =	sadd.s32 s7, s8  }
0xd: {  	s17 =	smov.u32 s5;
	[sflag:s6] =	ssyncpa.u1 $0x0;
	s7 =	sshll.u32 s7, $0x6  }
0xe: {  	p0 =	por $0x0, $0x0;
	[sflag:s31] =	ssyncpa.u1 $0x0;
	s8 =	sor.u32 $0x1, s7  }
.LBB1_4:
0xf: {  	[tilespmem:s25+$0x2040 ss:$0x81] =	vst.msk $0xffff, v4  }
0x10: {  	s28 =	sshll.u32 s11, $0xA;
	[tilespmem:s25+$0x2850 ss:$0x81] =	vst.msk $0xffff, v3  }
0x11: {  	s27 =	sshra.s32 s27, $0x2;
	s29 =	sshll.u32 s12, $0x3;
	p1 =	sgt.s32 s13, $0x7;
	[tilespmem:s25+$0x3060 ss:$0x81] =	vst.msk $0xffff, v2  }
0x12: {  	s30 =	smov.u32 s13;
	s31 =	sshra.s32 s13, $0x1F;
	[tilespmem:s25+$0x0 ss:$0x81] =	vst.msk $0xffff, v0;
	s25 =	sand.u32 $0x78, s12  }
0x13: {  	s28 =	sand.u32 $0x6000, s28;
	s29 =	sand.u32 $0x7C00, s29;
	s30 =	simm.s32 @!p1 $0x7  }
0x14: {  	s31 =	sand.u32 s31, s13;
	s26 =	sadd.s32 s27, s26;
	p1 =	sgt.s32 s12, $0x380  }
0x15: {  	s27 =	sadd.s32 s29, s28;
	s28 =	ssub.s32 s30, s31;
	s30 =	smov.u32 s12  }
0x16: {  	s31 =	sshra.s32 s12, $0x1F;
	s29 =	sadd.s32 $0xFFFFFFF9, s28;
	s30 =	simm.s32 @!p1 $0x380  }
0x17: {  	p1 =	sgt.s32 s11, $0x1F;
	p2 =	sgt.s32 s29, $0x0;
	s29 =	sand.u32 s31, s12  }
0x18: {  	s31 =	smov.u32 s11;
	s29 =	ssub.s32 s30, s29;
	s30 =	sshra.s32 s11, $0x1F  }
0x19: {  	s28 =	ssub.s32 $0x8, s28;
	s31 =	simm.s32 @!p1 $0x1F;
	s30 =	sand.u32 s30, s11  }
0x1a: {  	s28 =	simm.s32 @p2 $0x0;
	s30 =	ssub.s32 s31, s30;
	s31 =	sadd.s32 $0xFFFFFC80, s29  }
0x1b: {  	v5 =	vld [tilespmem:s24+$0xFFFFFFD0];
	s29 =	ssub.s32 $0x400, s29;
	p1 =	sgt.s32 s31, $0x7F;
	s31 =	sadd.s32 $0xFFFFFFE1, s30  }
0x1c: {  	v58 =	vld [tilespmem:s24+$0xFFFFFFE0];
	p2 =	sgt.s32 s10, $0x40;
	s29 =	simm.s32 @p1 $0x0;
	p1 =	sgt.s32 s31, $0x0  }
0x1d: {  	v59 =	vld [tilespmem:s24+$0xFFFFFFF0];
	s31 =	smov.u32 s10;
	s28 =	smul.u32 s28, s29;
	s29 =	sshra.s32 s10, $0x1F  }
0x1e: {  	v60 =	vld [tilespmem:s24+$0x0];
	s30 =	ssub.s32 $0x20, s30;
	s31 =	simm.s32 @!p2 $0x40;
	s29 =	sand.u32 s29, s10  }
0x1f: {  	v61 =	vld [tilespmem:s24+$0x10];
	[tilespmem:s26+$0x3870 ss:$0x81] =	vst.msk $0xffff, v1;
	s30 =	simm.s32 @p1 $0x0;
	s29 =	ssub.s32 s31, s29;
	s31 =	sshll.u32 s11, $0x7  }
0x20: {  	v62 =	vld [tilespmem:s24+$0x20];
	s27 =	sshrl.u32 s27, $0x3;
	[tilespmem:s26+$0x810 ss:$0x81] =	vst.msk $0xffff, v5;
	s28 =	smul.u32 s30, s28;
	s31 =	sand.u32 $0x380, s31  }
0x21: {  	v63 =	vld [tilespmem:s24+$0xFFFFFFC0];
	[tilespmem:s26+$0x1020 ss:$0x81] =	vst.msk $0xffff, v58;
	s30 =	sadd.s32 $0xFFFFFFC0, s29;
	s24 =	ssub.s32 $0xC0, s29;
	s29 =	smul.u32 $0xC0000, s13  }
0x22: {  	[tilespmem:s26+$0x1830 ss:$0x81] =	vst.msk $0xffff, v59;
	p1 =	sgt.s32 s30, $0x7F;
	s25 =	sor.u32 s25, s31;
	s30 =	sshll.u32 s10, $0xC  }
0x23: {  	[tilespmem:s26+$0x2040 ss:$0x81] =	vst.msk $0xffff, v60;
	s31 =	sand.u32 $0x7, s12;
	s24 =	simm.s32 @p1 $0x0;
	s29 =	sadd.s32 s3, s29  }
0x24: {  	[tilespmem:s26+$0x2850 ss:$0x81] =	vst.msk $0xffff, v61;
	s25 =	sshrl.u32 s25, $0x3;
	s24 =	smul.u32 s24, s28;
	s28 =	sadd.s32 s30, s29  }
0x25: {  	s27 =	sand.u32 $0xF80, s27;
	[tilespmem:s26+$0x3060 ss:$0x81] =	vst.msk $0xffff, v62;
	s30 =	sshll.u32 s31, $0x12;
	s25 =	sadd.s32 s25, s28  }
0x26: {  	[tilespmem:s26+$0x0 ss:$0x81] =	vst.msk $0xffff, v63;
	s31 =	sor.u32 $0x80, s30;
	s24 =	sand.u32 $0x3FFFFFFF, s24;
	s25 =	sadd.s32 s27, s25  }
0x27: {  	[hbm4b:s25+s31] =	stream.strided.scatter [tilespmem:s23], [sflag:$0x2], s24, s9, s31, $0x20;
	[tilespmem:$0x10100] =	vst v63  }
.LBB1_5:
0x28: {  	p1 =	slt.u32 s18, $0x2  }
0x29: {  	p2 =	sgt.s32 @!p1 s22, $0x7  }
0x2a: {  	s23 =	smov.u32 s22;
	s24 =	sshra.s32 @!p1 s22, $0x1F;
	p2 =	por !p2, p1  }
0x2b: {  	s22 =	sand.u32 @!p1 s24, s22;
	s23 =	simm.s32 @p2 $0x7  }
0x2c: {  	s25 =	smov.u32 s16;
	s22 =	ssub.s32 @!p1 s23, s22  }
0x2d: {  	s26 =	smov.u32 s17;
	p0 =	por !p0, !p0;
	s23 =	sadd.s32 @!p1 $0xFFFFFFF9, s22  }
0x2e: {  	p3 =	sgt.s32 @!p1 s21, $0x1F;
	s24 =	sshra.s32 @!p1 s21, $0x1F;
	p2 =	sgt.s32 @!p1 s23, $0x0  }
0x2f: {  	s23 =	smov.u32 s21;
	s21 =	sand.u32 @!p1 s24, s21;
	s24 =	sshra.s32 @!p1 s19, $0x1F  }
0x30: {  	s22 =	ssub.s32 @!p1 $0x8, s22;
	p2 =	por !p2, p1;
	s24 =	sand.u32 @!p1 s24, s19  }
0x31: {  	s22 =	simm.s32 @!p2 $0x0;
	p2 =	por !p3, p1;
	p3 =	sgt.s32 @!p1 s19, $0x40  }
0x32: {  	s23 =	simm.s32 @p2 $0x1F;
	p2 =	sgt.s32 @!p1 s20, $0x380;
	p3 =	por !p3, p1  }
0x33: {  	s21 =	ssub.s32 @!p1 s23, s21;
	s23 =	sshra.s32 @!p1 s20, $0x1F;
	p2 =	por !p2, p1  }
0x34: {  	s19 =	simm.s32 @p3 $0x40;
	s23 =	sand.u32 @!p1 s23, s20;
	s20 =	simm.s32 @p2 $0x380  }
0x35: {  	s19 =	ssub.s32 @!p1 s19, s24;
	s20 =	ssub.s32 @!p1 s20, s23;
	s23 =	sadd.s32 @!p1 $0xFFFFFFE1, s21  }
0x36: {  	s24 =	sadd.s32 @!p1 $0xFFFFFFC0, s19;
	p2 =	sgt.s32 @!p1 s23, $0x0;
	s23 =	sadd.s32 @!p1 $0xFFFFFC80, s20  }
0x37: {  	s21 =	ssub.s32 @!p1 $0x20, s21;
	s20 =	ssub.s32 @!p1 $0x400, s20;
	p3 =	sgt.s32 @!p1 s23, $0x7F  }
0x38: {  	p2 =	por !p2, p1;
	s23 =	sadd.s32 $0x80, s14;
	p3 =	por !p3, p1  }
0x39: {  	s21 =	simm.s32 @!p2 $0x0;
	p2 =	sgt.s32 s23, $0xBF;
	s20 =	simm.s32 @!p3 $0x0  }
0x3a: {  	p3 =	sgt.s32 @!p1 s24, $0x7F;
	s20 =	smul.u32 @!p1 s22, s20;
	s22 =	simm.s32 $0x1  }
0x3b: {  	s19 =	ssub.s32 @!p1 $0xC0, s19;
	p3 =	por !p3, p1;
	s22 =	simm.s32 @!p2 $0x0  }
0x3c: {  	s27 =	simm.s32 @!p1 $0x2;
	s19 =	simm.s32 @!p3 $0x0;
	s24 =	sadd.s32 s22, s15  }
0x3d: {  	s20 =	smul.u32 @!p1 s21, s20;
	s21 =	sadd.s32 $0x200, s16;
	p3 =	sgt.s32 s24, $0x1F  }
0x3e: {  	s23 =	simm.s32 @p2 $0x0;
	s22 =	smov.u32 s13;
	s25 =	smov.u32 @p3 s21  }
0x3f: {  	s19 =	smul.u32 @!p1 s19, s20;
	s20 =	sadd.s32 $0x8, s17;
	p2 =	sgt.s32 s25, $0x3FF  }
0x40: {  	s13 =	smov.u32 s17;
	s24 =	simm.s32 @p3 $0x0;
	s26 =	smov.u32 @p2 s20  }
0x41: {  	s21 =	smov.u32 s11;
	s25 =	smov.u32 @p2 s2;
	p2 =	sgt.s32 s26, $0x7  }
0x42: {  	s11 =	smov.u32 s15;
	s26 =	smov.u32 @p2 s5;
	p2 =	sne.s32 s18, s8  }
.Ltmp1:
0x43: {  	s15 =	smov.u32 s24;
	s19 =	sand.u32 @!p1 $0x3FFFFFFF, s19;
	(pc) =	sbr.rel @!p2 .LBB1_6-.Ltmp1, $4  }
0x44: {  	s20 =	smov.u32 s12;
	s12 =	smov.u32 s16;
	_ =	swait.ge @!p1 [sflag:s27], s19  }
0x45: {  	s28 =	ssub.s32 @!p1 $0x0, s19;
	s19 =	smov.u32 s10;
	s10 =	smov.u32 s14  }
0x46: {  	s14 =	smov.u32 s23;
	s16 =	smov.u32 s25;
	[sflag:s27] =	ssyncset.done @!p1 $0x0  }
0x47: {  	s18 =	sadd.s32 $0x1, s18;
	[sflag:s27] =	ssyncadd.s32 @!p1 s28;
	s17 =	smov.u32 s26  }
.LBB1_1:
0x48: {  	p1 =	sge.u32 s18, s7;
	s31 =	sadd.s32 $0xFFFFFFFF, s18  }
0x49: {  	s23 =	sxor.u32 @!p1 $0xFFFFFFFF, s18;
	s24 =	sand.u32 @!p1 $0x78, s14;
	s25 =	sshll.u32 @!p1 s15, $0x8  }
0x4a: {  	s26 =	sshll.u32 @!p1 s14, $0x3;
	s27 =	sshll.u32 @!p1 s15, $0x7;
	s23 =	sshll.u32 @!p1 s23, $0xE  }
0x4b: {  	s25 =	sand.u32 @!p1 $0x1800, s25;
	s26 =	sand.u32 @!p1 $0x1C00, s26;
	s23 =	sand.u32 @!p1 $0x4000, s23  }
0x4c: {  	s25 =	sadd.s32 @!p1 s25, s26;
	s26 =	sand.u32 @!p1 $0x300, s27;
	s27 =	sand.u32 @!p1 $0x80, s27  }
0x4d: {  	s25 =	sor.u32 @!p1 s26, s25;
	s24 =	sor.u32 @!p1 s24, s27;
	s26 =	sshll.u32 @!p1 s17, $0x14  }
0x4e: {  	s27 =	sshll.u32 @!p1 s16, $0xA;
	s25 =	sshrl.u32 @!p1 s25, $0x3;
	s26 =	sadd.s32 @!p1 s4, s26  }
0x4f: {  	s24 =	sshrl.u32 @!p1 s24, $0x3;
	s26 =	sadd.s32 @!p1 s27, s26;
	s27 =	sand.u32 @!p1 $0x7, s14  }
0x50: {  	s25 =	sand.u32 @!p1 $0x3E0, s25;
	s24 =	sadd.s32 @!p1 s24, s26;
	s26 =	sshll.u32 @!p1 s27, $0x12  }
0x51: {  	s24 =	sadd.s32 @!p1 s25, s24;
	s25 =	sor.u32 @!p1 $0x80, s26;
	s26 =	simm.s32 @!p1 $0x2000  }
0x52: {  	[tilespmem:s23], [sflag:$0x1] =	stream.strided.gather @!p1 [hbm4b:s24+s25], $0x4000, s26, s25, $0x38;
	[tilespmem:$0x10100] =	vst v63  }
0x53: {  	p1 =	sge.u32 s31, s7  }
.Ltmp2:
0x54: {  	_ = 	snop;
	(pc) =	sbr.rel @p1 .LBB1_5-.Ltmp2, $1  }
0x55: {  	_ =	sdelay $0x3  }
0x56: {  	s23 =	simm.s32 $0x1  }
0x57: {  	_ =	swait.ge [sflag:s6], $0x4000;
	s23 =	simm.s32 @!p0 $0x0  }
0x58: {  	[sflag:s6] =	ssyncset.done $0x0;
	s24 =	sshll.u32 s23, $0xE  }
0x59: {  	[sflag:s6] =	ssyncadd.s32 $0xFFFFC000;
	s24 =	sor.u32 $0x40, s24  }
0x5a: {  	s23 =	smul.u32 $0x10200, s23;
	v0 =	vld [tilespmem:s24+$0x30]  }
0x5b: {  	v1 =	vld [tilespmem:s24+$0xFFFFFFD0]  }
0x5c: {  	s23 =	sshrl.u32 s23, $0x2;
	v5 =	vld [tilespmem:s24+$0xFFFFFFE0]  }
0x5d: {  	v6 =	vld [tilespmem:s24+$0xFFFFFFF0];
	s26 =	sor.u32 $0x8000, s23  }
0x5e: {  	s31 =	sand.u32 $0x1, s18;
	v4 =	vld [tilespmem:s24+$0x0];
	s25 =	sadd.s32 $0x0, s26  }
0x5f: {  	v3 =	vld [tilespmem:s24+$0x10];
	s23 =	smul.u32 $0x10200, s31;
	[tilespmem:s25+$0x3870 ss:$0x81] =	vst.msk $0xffff, v0  }
0x60: {  	v2 =	vld [tilespmem:s24+$0x20];
	[tilespmem:s25+$0x810 ss:$0x81] =	vst.msk $0xffff, v1  }
0x61: {  	s23 =	sshrl.u32 s23, $0x2;
	v0 =	vld [tilespmem:s24+$0xFFFFFFC0];
	[tilespmem:s25+$0x1020 ss:$0x81] =	vst.msk $0xffff, v5;
	s24 =	sadd.s32 $0x80, s24  }
0x62: {  	s27 =	simm.s32 $0x4;
	s28 =	simm.s32 $0x8;
	s23 =	sor.u32 $0x8000, s23;
	[tilespmem:s25+$0x1830 ss:$0x81] =	vst.msk $0xffff, v6;
	v1 =	vld [tilespmem:s24+$0x30]  }
.LBB1_3:
0x63: {  	p1 =	sne.s32 s28, $0x1FC;
	v5 =	vld [tilespmem:s24+$0xFFFFFFD0];
	[tilespmem:s25+$0x2040 ss:$0x81] =	vst.msk $0xffff, v4  }
0x64: {  	v6 =	vld [tilespmem:s24+$0xFFFFFFE0];
	[tilespmem:s25+$0x2850 ss:$0x81] =	vst.msk $0xffff, v3  }
0x65: {  	s29 =	sshra.s32 s27, $0x2;
	s27 =	smov.u32 s28;
	v7 =	vld [tilespmem:s24+$0xFFFFFFF0];
	[tilespmem:s25+$0x3060 ss:$0x81] =	vst.msk $0xffff, v2  }
.Ltmp3:
0x66: {  	v4 =	vld [tilespmem:s24+$0x0];
	[tilespmem:s25+$0x0 ss:$0x81] =	vst.msk $0xffff, v0;
	s25 =	sadd.s32 s29, s26;
	(pc) =	sbr.rel @p1 .LBB1_3-.Ltmp3, $4  }
0x67: {  	v3 =	vld [tilespmem:s24+$0x10];
	[tilespmem:s25+$0x3870 ss:$0x81] =	vst.msk $0xffff, v1  }
0x68: {  	[tilespmem:s25+$0x810 ss:$0x81] =	vst.msk $0xffff, v5;
	v2 =	vld [tilespmem:s24+$0x20]  }
0x69: {  	v0 =	vld [tilespmem:s24+$0xFFFFFFC0];
	[tilespmem:s25+$0x1020 ss:$0x81] =	vst.msk $0xffff, v6;
	s24 =	sadd.s32 $0x80, s24  }
0x6a: {  	s28 =	sadd.s32 $0x4, s28;
	v1 =	vld [tilespmem:s24+$0x30];
	[tilespmem:s25+$0x1830 ss:$0x81] =	vst.msk $0xffff, v7  }
.Ltmp4:
0x6b: {  	_ = 	snop;
	(pc) =	sbr.rel .LBB1_4-.Ltmp4, $1  }
0x6c: {  	_ =	sdelay $0x3  }
.LBB1_6:
0x6d: {  	_ =	sfence.sel $0x180000  }
0x6e: {  	s2 =	simm.s32 $0x1;
	[bflag:$0x0] =	sbarrier.arrive $0xFFFF  }
0x6f: {  	s31 =	simm.s32 $0x2;
	[sflag:s2] =	ssyncpa.u1 $0x1  }
0x70: {  	[sflag:s31] =	ssyncpa.u1 $0x1  }
0x71: {  	p0 =	sne.s32 s0, $0x0;
	_ =	strace $0x90000047  }
0x72: {  	s0 =	sadd.s32 @!p0 $0x100000, s1;
	[bflag:$0x2] =	sbarrier.arrive $0xFFFF  }
0x73: {  	[sflag:s0] =	ssyncadd.tile.s32 @!p0 $0x1;
	_ =	shalt  }
.Lfunc_end1:
_tile_overlayer_lowered:
.L_overlay_start_2:
0x74: {  	(tag) =	ssettag $0x2  }
0x75: {  	s0 =	rddreg [dreg:$0x0];
	s2 =	stileid.u32  }
0x76: {  	s1 =	rddreg [dreg:$0x1];
	p0 =	sne.s32 s2, $0x0  }
0x77: {  	s3 =	rddreg [dreg:$0x2];
	[bflag:$0x3] =	sbarrier.arrive $0xFFFF;
	s2 =	simm.s32 @!p0 $0x1C01  }
0x78: {  	[timem:s3], [sflag:s2] =	dma.local @!p0 [hbm:s0], s1  }
0x79: {  	s0 =	simm.s32 @!p0 $0x1  }
0x7a: {  	_ =	swait.ge @!p0 [sflag:s0], s1  }
0x7b: {  	s1 =	ssub.s32 @!p0 $0x0, s1;
	[sflag:s0] =	ssyncset.done @!p0 $0x0  }
0x7c: {  	[sflag:s0] =	ssyncadd.s32 @!p0 s1  }
0x7d: {  	[bflag:$0x3] =	sbarrier.arrive $0xFFFF  }
0x7e: {  	_ =	shalt  }

</sc_bundles>
